<compile_context>
chip_gen: v7x
topology: tpu7x:2x2x1
jax: 0.10.2.dev20260603
libtpu: 0.0.44.dev20260713+nightly
codegen_flags: <defaults>
</compile_context>

<pallas_src>
import functools

import jax
import jax.numpy as jnp
from jax import lax
from jax.experimental import pallas as pl
from jax.experimental.pallas import tpu as pltpu
from jax.experimental.pallas import tpu_sc as plsc

NSEM = 8


def _gather_call(B, D, b_per_w, NC):
    mesh = plsc.VectorSubcoreMesh(core_axis_name="c", subcore_axis_name="s")

    @functools.partial(
        pl.kernel,
        mesh=mesh,
        out_type=jax.ShapeDtypeStruct((B, D), jnp.float32),
        scratch_types=[
            pltpu.VMEM((b_per_w,), jnp.int32),
            pltpu.VMEM((b_per_w, D), jnp.float32),
        ]
        + [pltpu.SemaphoreType.DMA] * NSEM,
    )
    def k(table_hbm, idx_hbm, out_hbm, idx_v, rows_v, *sems):
        wid = lax.axis_index("s") * NC + lax.axis_index("c")
        base = wid * b_per_w
        pltpu.sync_copy(idx_hbm.at[pl.ds(base, b_per_w)], idx_v)

        def fire(g, carry):
            vec = idx_v[pl.ds(g * 16, 16)]
            for j in range(16):
                row = vec[j]
                pltpu.async_copy(
                    table_hbm.at[pl.ds(row, 1)],
                    rows_v.at[pl.ds(g * 16 + j, 1)],
                    sems[j % NSEM],
                )
            return carry

        lax.fori_loop(0, b_per_w // 16, fire, 0)
        per_sem = b_per_w // NSEM
        for j in range(NSEM):
            pltpu.make_async_copy(
                table_hbm.at[pl.ds(0, per_sem)],
                rows_v.at[pl.ds(0, per_sem)],
                sems[j],
            ).wait()
        pltpu.sync_copy(rows_v, out_hbm.at[pl.ds(base, b_per_w)])

    return k


def kernel(lookup, table):
    B, = lookup.shape
    V, D = table.shape
    info = plsc.get_sparse_core_info()
    NW = info.num_cores * info.num_subcores
    b_per_w = B // NW
    idx = lookup.astype(jnp.int32)
    return _gather_call(B, D, b_per_w, info.num_cores)(table, idx)

# --- scband reference (transcript-rebuilt; emitter-appended) ---
"""Pipeline reference for scband-static-discrete-field-embedder-498216206508 (READ-ONLY COPY).

The authoritative reference and input builder live on the scoring server;
editing this copy changes nothing except your own understanding.
"""

import jax, jax.numpy as jnp
import numpy as np

NUM_EMBEDDINGS = 1000008
EMBED_DIM = 64
BATCH = 16384

def setup_inputs(seed: int = 0) -> dict:
    key = jax.random.key(seed)
    k_idx, k_tab = jax.random.split(key)
    lookup = jax.random.randint(k_idx, (BATCH,), 0, NUM_EMBEDDINGS, dtype=jnp.int64) if jax.config.jax_enable_x64 else jax.random.randint(k_idx, (BATCH,), 0, NUM_EMBEDDINGS, dtype=jnp.int32)
    # torch.nn.Embedding default init: N(0, 1)
    table = jax.random.normal(k_tab, (NUM_EMBEDDINGS, EMBED_DIM), dtype=jnp.float32)
    return {"lookup": lookup, "table": table}

def reference(lookup, table):
    # StaticDiscreteFieldEmbedder.forward: self.embeddings(inputs.lookup)
    return jnp.take(table, lookup, axis=0)

if __name__ == "__main__":
    import jax
    _d = setup_inputs()
    print(jax.jit(kernel)(*tuple(_d.values())))

</pallas_src>

<mosaic_0001>
#map = affine_map<(d0, d1) -> (0, 0)>
#map1 = affine_map<(d0, d1) -> (0)>
module attributes {stable_mosaic.version = 14 : i64} {
  func.func @k(%arg0: i32, %arg1: i32, %arg2: memref<1000008x64xf32, #tpu.memory_space<hbm>>, %arg3: memref<16384xi32, #tpu.memory_space<hbm>>, %arg4: memref<16384x64xf32, #tpu.memory_space<hbm>>, %arg5: memref<512xi32, #tpu.memory_space<vmem>>, %arg6: memref<512x64xf32, #tpu.memory_space<vmem>>, %arg7: memref<!tpu.dma_semaphore, #tpu.memory_space<semaphore_mem>>, %arg8: memref<!tpu.dma_semaphore, #tpu.memory_space<semaphore_mem>>, %arg9: memref<!tpu.dma_semaphore, #tpu.memory_space<semaphore_mem>>, %arg10: memref<!tpu.dma_semaphore, #tpu.memory_space<semaphore_mem>>, %arg11: memref<!tpu.dma_semaphore, #tpu.memory_space<semaphore_mem>>, %arg12: memref<!tpu.dma_semaphore, #tpu.memory_space<semaphore_mem>>, %arg13: memref<!tpu.dma_semaphore, #tpu.memory_space<semaphore_mem>>, %arg14: memref<!tpu.dma_semaphore, #tpu.memory_space<semaphore_mem>>) attributes {dimension_semantics = [#tpu.dimension_semantics<core_parallel>, #tpu.dimension_semantics<subcore_parallel>], iteration_bounds = array<i64: 2, 16>, scalar_prefetch = 0 : i64, scratch_operands = 10 : i64, tpu.core_type = #tpu.core_type<sc_vector_subcore>, window_params = [{transform_indices = #map}, {transform_indices = #map1}, {transform_indices = #map}]} {
    %mul3A = arith.constant 2 : i32
    %mul3A_0 = arith.muli %arg1, %mul3A : i32
    %add3A = arith.addi %mul3A_0, %arg0 : i32
    %mul3A_1 = arith.constant 512 : i32
    %mul3A_2 = arith.muli %add3A, %mul3A_1 : i32
    "tpu.region"() ({
      %run_scoped3A = tpu.sem_alloc : memref<!tpu.dma_semaphore, #tpu.memory_space<semaphore_mem>>
      %dma_start3A = tpu.memref_slice %arg3[%mul3A_2] : memref<16384xi32, #tpu.memory_space<hbm>> -> memref<512xi32, #tpu.memory_space<hbm>>
      %dma_start3A_103 = tpu.memref_slice %arg3[%mul3A_2] : memref<16384xi32, #tpu.memory_space<hbm>> -> memref<512xi32, #tpu.memory_space<hbm>>
      tpu.enqueue_dma source(%dma_start3A_103 : memref<512xi32, #tpu.memory_space<hbm>>) target(%arg5 : memref<512xi32, #tpu.memory_space<vmem>>) target_semaphore(%run_scoped3A : memref<!tpu.dma_semaphore, #tpu.memory_space<semaphore_mem>>)
      %dma_wait3A_104 = tpu.memref_slice %arg3[%mul3A_2] : memref<16384xi32, #tpu.memory_space<hbm>> -> memref<512xi32, #tpu.memory_space<hbm>>
      %dma_wait3A_105 = tpu.memref_slice %arg3[%mul3A_2] : memref<16384xi32, #tpu.memory_space<hbm>> -> memref<512xi32, #tpu.memory_space<hbm>>
      tpu.wait_dma2 semaphore(%run_scoped3A : memref<!tpu.dma_semaphore, #tpu.memory_space<semaphore_mem>>) src(%dma_wait3A_105 : memref<512xi32, #tpu.memory_space<hbm>>) dst(%arg5 : memref<512xi32, #tpu.memory_space<vmem>>)
      tpu.yield
    }) : () -> ()
    %scan3A = arith.constant 0 : i32
    %scan3A_3 = arith.constant 0 : i32
    %scan3A_4 = arith.constant 32 : i32
    %scan3A_5 = arith.addi %scan3A_3, %scan3A_4 : i32
    %scan3A_6 = arith.constant 1 : i32
    scf.for %scan3A_103 = %scan3A_3 to %scan3A_5 step %scan3A_6  : i32 {
      %mul3A_104 = arith.constant 16 : i32
      %mul3A_105 = arith.muli %scan3A_103, %mul3A_104 : i32
      %get3A = arith.index_cast %mul3A_105 : i32 to index
      %get3A_106 = tpu.vector_load %arg5[%get3A] {strides = array<i32>} : memref<512xi32, #tpu.memory_space<vmem>>, vector<16xi32>,
      %get3A_107 = vector.shape_cast %get3A_106 : vector<16xi32> to vector<16xi32>
      %slice3A = vector.extract_strided_slice %get3A_107 {offsets = [0], sizes = [1], strides = [1]} : vector<16xi32> to vector<1xi32>
      %squeeze3A = vector.extract %slice3A[0] : i32 from vector<1xi32>
      %mul3A_108 = arith.constant 16 : i32
      %mul3A_109 = arith.muli %scan3A_103, %mul3A_108 : i32
      %add3A_110 = arith.constant 0 : i32
      %add3A_111 = arith.addi %mul3A_109, %add3A_110 : i32
      %dma_start3A = arith.constant 0 : i32
      %dma_start3A_112 = tpu.memref_slice %arg6[%add3A_111, %dma_start3A] : memref<512x64xf32, #tpu.memory_space<vmem>> -> memref<1x64xf32, #tpu.memory_space<vmem>>
      %dma_start3A_113 = arith.constant 0 : i32
      %dma_start3A_114 = tpu.memref_slice %arg2[%squeeze3A, %dma_start3A_113] : memref<1000008x64xf32, #tpu.memory_space<hbm>> -> memref<1x64xf32, #tpu.memory_space<hbm>>
      %dma_start3A_115 = arith.constant 0 : i32
      %dma_start3A_116 = tpu.memref_slice %arg6[%add3A_111, %dma_start3A_115] : memref<512x64xf32, #tpu.memory_space<vmem>> -> memref<1x64xf32, #tpu.memory_space<vmem>>
      %dma_start3A_117 = arith.constant 0 : i32
      %dma_start3A_118 = tpu.memref_slice %arg2[%squeeze3A, %dma_start3A_117] : memref<1000008x64xf32, #tpu.memory_space<hbm>> -> memref<1x64xf32, #tpu.memory_space<hbm>>
      tpu.enqueue_dma source(%dma_start3A_118 : memref<1x64xf32, #tpu.memory_space<hbm>>) target(%dma_start3A_116 : memref<1x64xf32, #tpu.memory_space<vmem>>) target_semaphore(%arg7 : memref<!tpu.dma_semaphore, #tpu.memory_space<semaphore_mem>>)
      %slice3A_119 = vector.extract_strided_slice %get3A_107 {offsets = [1], sizes = [1], strides = [1]} : vector<16xi32> to vector<1xi32>
      %squeeze3A_120 = vector.extract %slice3A_119[0] : i32 from vector<1xi32>
      %mul3A_121 = arith.constant 16 : i32
      %mul3A_122 = arith.muli %scan3A_103, %mul3A_121 : i32
      %add3A_123 = arith.constant 1 : i32
      %add3A_124 = arith.addi %mul3A_122, %add3A_123 : i32
      %dma_start3A_125 = arith.constant 0 : i32
      %dma_start3A_126 = tpu.memref_slice %arg6[%add3A_124, %dma_start3A_125] : memref<512x64xf32, #tpu.memory_space<vmem>> -> memref<1x64xf32, #tpu.memory_space<vmem>>
      %dma_start3A_127 = arith.constant 0 : i32
      %dma_start3A_128 = tpu.memref_slice %arg2[%squeeze3A_120, %dma_start3A_127] : memref<1000008x64xf32, #tpu.memory_space<hbm>> -> memref<1x64xf32, #tpu.memory_space<hbm>>
      %dma_start3A_129 = arith.constant 0 : i32
      %dma_start3A_130 = tpu.memref_slice %arg6[%add3A_124, %dma_start3A_129] : memref<512x64xf32, #tpu.memory_space<vmem>> -> memref<1x64xf32, #tpu.memory_space<vmem>>
      %dma_start3A_131 = arith.constant 0 : i32
      %dma_start3A_132 = tpu.memref_slice %arg2[%squeeze3A_120, %dma_start3A_131] : memref<1000008x64xf32, #tpu.memory_space<hbm>> -> memref<1x64xf32, #tpu.memory_space<hbm>>
      tpu.enqueue_dma source(%dma_start3A_132 : memref<1x64xf32, #tpu.memory_space<hbm>>) target(%dma_start3A_130 : memref<1x64xf32, #tpu.memory_space<vmem>>) target_semaphore(%arg8 : memref<!tpu.dma_semaphore, #tpu.memory_space<semaphore_mem>>)
      %slice3A_133 = vector.extract_strided_slice %get3A_107 {offsets = [2], sizes = [1], strides = [1]} : vector<16xi32> to vector<1xi32>
      %squeeze3A_134 = vector.extract %slice3A_133[0] : i32 from vector<1xi32>
      %mul3A_135 = arith.constant 16 : i32
      %mul3A_136 = arith.muli %scan3A_103, %mul3A_135 : i32
      %add3A_137 = arith.constant 2 : i32
      %add3A_138 = arith.addi %mul3A_136, %add3A_137 : i32
      %dma_start3A_139 = arith.constant 0 : i32
      %dma_start3A_140 = tpu.memref_slice %arg6[%add3A_138, %dma_start3A_139] : memref<512x64xf32, #tpu.memory_space<vmem>> -> memref<1x64xf32, #tpu.memory_space<vmem>>
      %dma_start3A_141 = arith.constant 0 : i32
      %dma_start3A_142 = tpu.memref_slice %arg2[%squeeze3A_134, %dma_start3A_141] : memref<1000008x64xf32, #tpu.memory_space<hbm>> -> memref<1x64xf32, #tpu.memory_space<hbm>>
      %dma_start3A_143 = arith.constant 0 : i32
      %dma_start3A_144 = tpu.memref_slice %arg6[%add3A_138, %dma_start3A_143] : memref<512x64xf32, #tpu.memory_space<vmem>> -> memref<1x64xf32, #tpu.memory_space<vmem>>
      %dma_start3A_145 = arith.constant 0 : i32
      %dma_start3A_146 = tpu.memref_slice %arg2[%squeeze3A_134, %dma_start3A_145] : memref<1000008x64xf32, #tpu.memory_space<hbm>> -> memref<1x64xf32, #tpu.memory_space<hbm>>
      tpu.enqueue_dma source(%dma_start3A_146 : memref<1x64xf32, #tpu.memory_space<hbm>>) target(%dma_start3A_144 : memref<1x64xf32, #tpu.memory_space<vmem>>) target_semaphore(%arg9 : memref<!tpu.dma_semaphore, #tpu.memory_space<semaphore_mem>>)
      %slice3A_147 = vector.extract_strided_slice %get3A_107 {offsets = [3], sizes = [1], strides = [1]} : vector<16xi32> to vector<1xi32>
      %squeeze3A_148 = vector.extract %slice3A_147[0] : i32 from vector<1xi32>
      %mul3A_149 = arith.constant 16 : i32
      %mul3A_150 = arith.muli %scan3A_103, %mul3A_149 : i32
      %add3A_151 = arith.constant 3 : i32
      %add3A_152 = arith.addi %mul3A_150, %add3A_151 : i32
      %dma_start3A_153 = arith.constant 0 : i32
      %dma_start3A_154 = tpu.memref_slice %arg6[%add3A_152, %dma_start3A_153] : memref<512x64xf32, #tpu.memory_space<vmem>> -> memref<1x64xf32, #tpu.memory_space<vmem>>
      %dma_start3A_155 = arith.constant 0 : i32
      %dma_start3A_156 = tpu.memref_slice %arg2[%squeeze3A_148, %dma_start3A_155] : memref<1000008x64xf32, #tpu.memory_space<hbm>> -> memref<1x64xf32, #tpu.memory_space<hbm>>
      %dma_start3A_157 = arith.constant 0 : i32
      %dma_start3A_158 = tpu.memref_slice %arg6[%add3A_152, %dma_start3A_157] : memref<512x64xf32, #tpu.memory_space<vmem>> -> memref<1x64xf32, #tpu.memory_space<vmem>>
      %dma_start3A_159 = arith.constant 0 : i32
      %dma_start3A_160 = tpu.memref_slice %arg2[%squeeze3A_148, %dma_start3A_159] : memref<1000008x64xf32, #tpu.memory_space<hbm>> -> memref<1x64xf32, #tpu.memory_space<hbm>>
      tpu.enqueue_dma source(%dma_start3A_160 : memref<1x64xf32, #tpu.memory_space<hbm>>) target(%dma_start3A_158 : memref<1x64xf32, #tpu.memory_space<vmem>>) target_semaphore(%arg10 : memref<!tpu.dma_semaphore, #tpu.memory_space<semaphore_mem>>)
      %slice3A_161 = vector.extract_strided_slice %get3A_107 {offsets = [4], sizes = [1], strides = [1]} : vector<16xi32> to vector<1xi32>
      %squeeze3A_162 = vector.extract %slice3A_161[0] : i32 from vector<1xi32>
      %mul3A_163 = arith.constant 16 : i32
      %mul3A_164 = arith.muli %scan3A_103, %mul3A_163 : i32
      %add3A_165 = arith.constant 4 : i32
      %add3A_166 = arith.addi %mul3A_164, %add3A_165 : i32
      %dma_start3A_167 = arith.constant 0 : i32
      %dma_start3A_168 = tpu.memref_slice %arg6[%add3A_166, %dma_start3A_167] : memref<512x64xf32, #tpu.memory_space<vmem>> -> memref<1x64xf32, #tpu.memory_space<vmem>>
      %dma_start3A_169 = arith.constant 0 : i32
      %dma_start3A_170 = tpu.memref_slice %arg2[%squeeze3A_162, %dma_start3A_169] : memref<1000008x64xf32, #tpu.memory_space<hbm>> -> memref<1x64xf32, #tpu.memory_space<hbm>>
      %dma_start3A_171 = arith.constant 0 : i32
      %dma_start3A_172 = tpu.memref_slice %arg6[%add3A_166, %dma_start3A_171] : memref<512x64xf32, #tpu.memory_space<vmem>> -> memref<1x64xf32, #tpu.memory_space<vmem>>
      %dma_start3A_173 = arith.constant 0 : i32
      %dma_start3A_174 = tpu.memref_slice %arg2[%squeeze3A_162, %dma_start3A_173] : memref<1000008x64xf32, #tpu.memory_space<hbm>> -> memref<1x64xf32, #tpu.memory_space<hbm>>
      tpu.enqueue_dma source(%dma_start3A_174 : memref<1x64xf32, #tpu.memory_space<hbm>>) target(%dma_start3A_172 : memref<1x64xf32, #tpu.memory_space<vmem>>) target_semaphore(%arg11 : memref<!tpu.dma_semaphore, #tpu.memory_space<semaphore_mem>>)
      %slice3A_175 = vector.extract_strided_slice %get3A_107 {offsets = [5], sizes = [1], strides = [1]} : vector<16xi32> to vector<1xi32>
      %squeeze3A_176 = vector.extract %slice3A_175[0] : i32 from vector<1xi32>
      %mul3A_177 = arith.constant 16 : i32
      %mul3A_178 = arith.muli %scan3A_103, %mul3A_177 : i32
      %add3A_179 = arith.constant 5 : i32
      %add3A_180 = arith.addi %mul3A_178, %add3A_179 : i32
      %dma_start3A_181 = arith.constant 0 : i32
      %dma_start3A_182 = tpu.memref_slice %arg6[%add3A_180, %dma_start3A_181] : memref<512x64xf32, #tpu.memory_space<vmem>> -> memref<1x64xf32, #tpu.memory_space<vmem>>
      %dma_start3A_183 = arith.constant 0 : i32
      %dma_start3A_184 = tpu.memref_slice %arg2[%squeeze3A_176, %dma_start3A_183] : memref<1000008x64xf32, #tpu.memory_space<hbm>> -> memref<1x64xf32, #tpu.memory_space<hbm>>
      %dma_start3A_185 = arith.constant 0 : i32
      %dma_start3A_186 = tpu.memref_slice %arg6[%add3A_180, %dma_start3A_185] : memref<512x64xf32, #tpu.memory_space<vmem>> -> memref<1x64xf32, #tpu.memory_space<vmem>>
      %dma_start3A_187 = arith.constant 0 : i32
      %dma_start3A_188 = tpu.memref_slice %arg2[%squeeze3A_176, %dma_start3A_187] : memref<1000008x64xf32, #tpu.memory_space<hbm>> -> memref<1x64xf32, #tpu.memory_space<hbm>>
      tpu.enqueue_dma source(%dma_start3A_188 : memref<1x64xf32, #tpu.memory_space<hbm>>) target(%dma_start3A_186 : memref<1x64xf32, #tpu.memory_space<vmem>>) target_semaphore(%arg12 : memref<!tpu.dma_semaphore, #tpu.memory_space<semaphore_mem>>)
      %slice3A_189 = vector.extract_strided_slice %get3A_107 {offsets = [6], sizes = [1], strides = [1]} : vector<16xi32> to vector<1xi32>
      %squeeze3A_190 = vector.extract %slice3A_189[0] : i32 from vector<1xi32>
      %mul3A_191 = arith.constant 16 : i32
      %mul3A_192 = arith.muli %scan3A_103, %mul3A_191 : i32
      %add3A_193 = arith.constant 6 : i32
      %add3A_194 = arith.addi %mul3A_192, %add3A_193 : i32
      %dma_start3A_195 = arith.constant 0 : i32
      %dma_start3A_196 = tpu.memref_slice %arg6[%add3A_194, %dma_start3A_195] : memref<512x64xf32, #tpu.memory_space<vmem>> -> memref<1x64xf32, #tpu.memory_space<vmem>>
      %dma_start3A_197 = arith.constant 0 : i32
      %dma_start3A_198 = tpu.memref_slice %arg2[%squeeze3A_190, %dma_start3A_197] : memref<1000008x64xf32, #tpu.memory_space<hbm>> -> memref<1x64xf32, #tpu.memory_space<hbm>>
      %dma_start3A_199 = arith.constant 0 : i32
      %dma_start3A_200 = tpu.memref_slice %arg6[%add3A_194, %dma_start3A_199] : memref<512x64xf32, #tpu.memory_space<vmem>> -> memref<1x64xf32, #tpu.memory_space<vmem>>
      %dma_start3A_201 = arith.constant 0 : i32
      %dma_start3A_202 = tpu.memref_slice %arg2[%squeeze3A_190, %dma_start3A_201] : memref<1000008x64xf32, #tpu.memory_space<hbm>> -> memref<1x64xf32, #tpu.memory_space<hbm>>
      tpu.enqueue_dma source(%dma_start3A_202 : memref<1x64xf32, #tpu.memory_space<hbm>>) target(%dma_start3A_200 : memref<1x64xf32, #tpu.memory_space<vmem>>) target_semaphore(%arg13 : memref<!tpu.dma_semaphore, #tpu.memory_space<semaphore_mem>>)
      %slice3A_203 = vector.extract_strided_slice %get3A_107 {offsets = [7], sizes = [1], strides = [1]} : vector<16xi32> to vector<1xi32>
      %squeeze3A_204 = vector.extract %slice3A_203[0] : i32 from vector<1xi32>
      %mul3A_205 = arith.constant 16 : i32
      %mul3A_206 = arith.muli %scan3A_103, %mul3A_205 : i32
      %add3A_207 = arith.constant 7 : i32
      %add3A_208 = arith.addi %mul3A_206, %add3A_207 : i32
      %dma_start3A_209 = arith.constant 0 : i32
      %dma_start3A_210 = tpu.memref_slice %arg6[%add3A_208, %dma_start3A_209] : memref<512x64xf32, #tpu.memory_space<vmem>> -> memref<1x64xf32, #tpu.memory_space<vmem>>
      %dma_start3A_211 = arith.constant 0 : i32
      %dma_start3A_212 = tpu.memref_slice %arg2[%squeeze3A_204, %dma_start3A_211] : memref<1000008x64xf32, #tpu.memory_space<hbm>> -> memref<1x64xf32, #tpu.memory_space<hbm>>
      %dma_start3A_213 = arith.constant 0 : i32
      %dma_start3A_214 = tpu.memref_slice %arg6[%add3A_208, %dma_start3A_213] : memref<512x64xf32, #tpu.memory_space<vmem>> -> memref<1x64xf32, #tpu.memory_space<vmem>>
      %dma_start3A_215 = arith.constant 0 : i32
      %dma_start3A_216 = tpu.memref_slice %arg2[%squeeze3A_204, %dma_start3A_215] : memref<1000008x64xf32, #tpu.memory_space<hbm>> -> memref<1x64xf32, #tpu.memory_space<hbm>>
      tpu.enqueue_dma source(%dma_start3A_216 : memref<1x64xf32, #tpu.memory_space<hbm>>) target(%dma_start3A_214 : memref<1x64xf32, #tpu.memory_space<vmem>>) target_semaphore(%arg14 : memref<!tpu.dma_semaphore, #tpu.memory_space<semaphore_mem>>)
      %slice3A_217 = vector.extract_strided_slice %get3A_107 {offsets = [8], sizes = [1], strides = [1]} : vector<16xi32> to vector<1xi32>
      %squeeze3A_218 = vector.extract %slice3A_217[0] : i32 from vector<1xi32>
      %mul3A_219 = arith.constant 16 : i32
      %mul3A_220 = arith.muli %scan3A_103, %mul3A_219 : i32
      %add3A_221 = arith.constant 8 : i32
      %add3A_222 = arith.addi %mul3A_220, %add3A_221 : i32
      %dma_start3A_223 = arith.constant 0 : i32
      %dma_start3A_224 = tpu.memref_slice %arg6[%add3A_222, %dma_start3A_223] : memref<512x64xf32, #tpu.memory_space<vmem>> -> memref<1x64xf32, #tpu.memory_space<vmem>>
      %dma_start3A_225 = arith.constant 0 : i32
      %dma_start3A_226 = tpu.memref_slice %arg2[%squeeze3A_218, %dma_start3A_225] : memref<1000008x64xf32, #tpu.memory_space<hbm>> -> memref<1x64xf32, #tpu.memory_space<hbm>>
      %dma_start3A_227 = arith.constant 0 : i32
      %dma_start3A_228 = tpu.memref_slice %arg6[%add3A_222, %dma_start3A_227] : memref<512x64xf32, #tpu.memory_space<vmem>> -> memref<1x64xf32, #tpu.memory_space<vmem>>
      %dma_start3A_229 = arith.constant 0 : i32
      %dma_start3A_230 = tpu.memref_slice %arg2[%squeeze3A_218, %dma_start3A_229] : memref<1000008x64xf32, #tpu.memory_space<hbm>> -> memref<1x64xf32, #tpu.memory_space<hbm>>
      tpu.enqueue_dma source(%dma_start3A_230 : memref<1x64xf32, #tpu.memory_space<hbm>>) target(%dma_start3A_228 : memref<1x64xf32, #tpu.memory_space<vmem>>) target_semaphore(%arg7 : memref<!tpu.dma_semaphore, #tpu.memory_space<semaphore_mem>>)
      %slice3A_231 = vector.extract_strided_slice %get3A_107 {offsets = [9], sizes = [1], strides = [1]} : vector<16xi32> to vector<1xi32>
      %squeeze3A_232 = vector.extract %slice3A_231[0] : i32 from vector<1xi32>
      %mul3A_233 = arith.constant 16 : i32
      %mul3A_234 = arith.muli %scan3A_103, %mul3A_233 : i32
      %add3A_235 = arith.constant 9 : i32
      %add3A_236 = arith.addi %mul3A_234, %add3A_235 : i32
      %dma_start3A_237 = arith.constant 0 : i32
      %dma_start3A_238 = tpu.memref_slice %arg6[%add3A_236, %dma_start3A_237] : memref<512x64xf32, #tpu.memory_space<vmem>> -> memref<1x64xf32, #tpu.memory_space<vmem>>
      %dma_start3A_239 = arith.constant 0 : i32
      %dma_start3A_240 = tpu.memref_slice %arg2[%squeeze3A_232, %dma_start3A_239] : memref<1000008x64xf32, #tpu.memory_space<hbm>> -> memref<1x64xf32, #tpu.memory_space<hbm>>
      %dma_start3A_241 = arith.constant 0 : i32
      %dma_start3A_242 = tpu.memref_slice %arg6[%add3A_236, %dma_start3A_241] : memref<512x64xf32, #tpu.memory_space<vmem>> -> memref<1x64xf32, #tpu.memory_space<vmem>>
      %dma_start3A_243 = arith.constant 0 : i32
      %dma_start3A_244 = tpu.memref_slice %arg2[%squeeze3A_232, %dma_start3A_243] : memref<1000008x64xf32, #tpu.memory_space<hbm>> -> memref<1x64xf32, #tpu.memory_space<hbm>>
      tpu.enqueue_dma source(%dma_start3A_244 : memref<1x64xf32, #tpu.memory_space<hbm>>) target(%dma_start3A_242 : memref<1x64xf32, #tpu.memory_space<vmem>>) target_semaphore(%arg8 : memref<!tpu.dma_semaphore, #tpu.memory_space<semaphore_mem>>)
      %slice3A_245 = vector.extract_strided_slice %get3A_107 {offsets = [10], sizes = [1], strides = [1]} : vector<16xi32> to vector<1xi32>
      %squeeze3A_246 = vector.extract %slice3A_245[0] : i32 from vector<1xi32>
      %mul3A_247 = arith.constant 16 : i32
      %mul3A_248 = arith.muli %scan3A_103, %mul3A_247 : i32
      %add3A_249 = arith.constant 10 : i32
      %add3A_250 = arith.addi %mul3A_248, %add3A_249 : i32
      %dma_start3A_251 = arith.constant 0 : i32
      %dma_start3A_252 = tpu.memref_slice %arg6[%add3A_250, %dma_start3A_251] : memref<512x64xf32, #tpu.memory_space<vmem>> -> memref<1x64xf32, #tpu.memory_space<vmem>>
      %dma_start3A_253 = arith.constant 0 : i32
      %dma_start3A_254 = tpu.memref_slice %arg2[%squeeze3A_246, %dma_start3A_253] : memref<1000008x64xf32, #tpu.memory_space<hbm>> -> memref<1x64xf32, #tpu.memory_space<hbm>>
      %dma_start3A_255 = arith.constant 0 : i32
      %dma_start3A_256 = tpu.memref_slice %arg6[%add3A_250, %dma_start3A_255] : memref<512x64xf32, #tpu.memory_space<vmem>> -> memref<1x64xf32, #tpu.memory_space<vmem>>
      %dma_start3A_257 = arith.constant 0 : i32
      %dma_start3A_258 = tpu.memref_slice %arg2[%squeeze3A_246, %dma_start3A_257] : memref<1000008x64xf32, #tpu.memory_space<hbm>> -> memref<1x64xf32, #tpu.memory_space<hbm>>
      tpu.enqueue_dma source(%dma_start3A_258 : memref<1x64xf32, #tpu.memory_space<hbm>>) target(%dma_start3A_256 : memref<1x64xf32, #tpu.memory_space<vmem>>) target_semaphore(%arg9 : memref<!tpu.dma_semaphore, #tpu.memory_space<semaphore_mem>>)
      %slice3A_259 = vector.extract_strided_slice %get3A_107 {offsets = [11], sizes = [1], strides = [1]} : vector<16xi32> to vector<1xi32>
      %squeeze3A_260 = vector.extract %slice3A_259[0] : i32 from vector<1xi32>
      %mul3A_261 = arith.constant 16 : i32
      %mul3A_262 = arith.muli %scan3A_103, %mul3A_261 : i32
      %add3A_263 = arith.constant 11 : i32
      %add3A_264 = arith.addi %mul3A_262, %add3A_263 : i32
      %dma_start3A_265 = arith.constant 0 : i32
      %dma_start3A_266 = tpu.memref_slice %arg6[%add3A_264, %dma_start3A_265] : memref<512x64xf32, #tpu.memory_space<vmem>> -> memref<1x64xf32, #tpu.memory_space<vmem>>
      %dma_start3A_267 = arith.constant 0 : i32
      %dma_start3A_268 = tpu.memref_slice %arg2[%squeeze3A_260, %dma_start3A_267] : memref<1000008x64xf32, #tpu.memory_space<hbm>> -> memref<1x64xf32, #tpu.memory_space<hbm>>
      %dma_start3A_269 = arith.constant 0 : i32
      %dma_start3A_270 = tpu.memref_slice %arg6[%add3A_264, %dma_start3A_269] : memref<512x64xf32, #tpu.memory_space<vmem>> -> memref<1x64xf32, #tpu.memory_space<vmem>>
      %dma_start3A_271 = arith.constant 0 : i32
      %dma_start3A_272 = tpu.memref_slice %arg2[%squeeze3A_260, %dma_start3A_271] : memref<1000008x64xf32, #tpu.memory_space<hbm>> -> memref<1x64xf32, #tpu.memory_space<hbm>>
      tpu.enqueue_dma source(%dma_start3A_272 : memref<1x64xf32, #tpu.memory_space<hbm>>) target(%dma_start3A_270 : memref<1x64xf32, #tpu.memory_space<vmem>>) target_semaphore(%arg10 : memref<!tpu.dma_semaphore, #tpu.memory_space<semaphore_mem>>)
      %slice3A_273 = vector.extract_strided_slice %get3A_107 {offsets = [12], sizes = [1], strides = [1]} : vector<16xi32> to vector<1xi32>
      %squeeze3A_274 = vector.extract %slice3A_273[0] : i32 from vector<1xi32>
      %mul3A_275 = arith.constant 16 : i32
      %mul3A_276 = arith.muli %scan3A_103, %mul3A_275 : i32
      %add3A_277 = arith.constant 12 : i32
      %add3A_278 = arith.addi %mul3A_276, %add3A_277 : i32
      %dma_start3A_279 = arith.constant 0 : i32
      %dma_start3A_280 = tpu.memref_slice %arg6[%add3A_278, %dma_start3A_279] : memref<512x64xf32, #tpu.memory_space<vmem>> -> memref<1x64xf32, #tpu.memory_space<vmem>>
      %dma_start3A_281 = arith.constant 0 : i32
      %dma_start3A_282 = tpu.memref_slice %arg2[%squeeze3A_274, %dma_start3A_281] : memref<1000008x64xf32, #tpu.memory_space<hbm>> -> memref<1x64xf32, #tpu.memory_space<hbm>>
      %dma_start3A_283 = arith.constant 0 : i32
      %dma_start3A_284 = tpu.memref_slice %arg6[%add3A_278, %dma_start3A_283] : memref<512x64xf32, #tpu.memory_space<vmem>> -> memref<1x64xf32, #tpu.memory_space<vmem>>
      %dma_start3A_285 = arith.constant 0 : i32
      %dma_start3A_286 = tpu.memref_slice %arg2[%squeeze3A_274, %dma_start3A_285] : memref<1000008x64xf32, #tpu.memory_space<hbm>> -> memref<1x64xf32, #tpu.memory_space<hbm>>
      tpu.enqueue_dma source(%dma_start3A_286 : memref<1x64xf32, #tpu.memory_space<hbm>>) target(%dma_start3A_284 : memref<1x64xf32, #tpu.memory_space<vmem>>) target_semaphore(%arg11 : memref<!tpu.dma_semaphore, #tpu.memory_space<semaphore_mem>>)
      %slice3A_287 = vector.extract_strided_slice %get3A_107 {offsets = [13], sizes = [1], strides = [1]} : vector<16xi32> to vector<1xi32>
      %squeeze3A_288 = vector.extract %slice3A_287[0] : i32 from vector<1xi32>
      %mul3A_289 = arith.constant 16 : i32
      %mul3A_290 = arith.muli %scan3A_103, %mul3A_289 : i32
      %add3A_291 = arith.constant 13 : i32
      %add3A_292 = arith.addi %mul3A_290, %add3A_291 : i32
      %dma_start3A_293 = arith.constant 0 : i32
      %dma_start3A_294 = tpu.memref_slice %arg6[%add3A_292, %dma_start3A_293] : memref<512x64xf32, #tpu.memory_space<vmem>> -> memref<1x64xf32, #tpu.memory_space<vmem>>
      %dma_start3A_295 = arith.constant 0 : i32
      %dma_start3A_296 = tpu.memref_slice %arg2[%squeeze3A_288, %dma_start3A_295] : memref<1000008x64xf32, #tpu.memory_space<hbm>> -> memref<1x64xf32, #tpu.memory_space<hbm>>
      %dma_start3A_297 = arith.constant 0 : i32
      %dma_start3A_298 = tpu.memref_slice %arg6[%add3A_292, %dma_start3A_297] : memref<512x64xf32, #tpu.memory_space<vmem>> -> memref<1x64xf32, #tpu.memory_space<vmem>>
      %dma_start3A_299 = arith.constant 0 : i32
      %dma_start3A_300 = tpu.memref_slice %arg2[%squeeze3A_288, %dma_start3A_299] : memref<1000008x64xf32, #tpu.memory_space<hbm>> -> memref<1x64xf32, #tpu.memory_space<hbm>>
      tpu.enqueue_dma source(%dma_start3A_300 : memref<1x64xf32, #tpu.memory_space<hbm>>) target(%dma_start3A_298 : memref<1x64xf32, #tpu.memory_space<vmem>>) target_semaphore(%arg12 : memref<!tpu.dma_semaphore, #tpu.memory_space<semaphore_mem>>)
      %slice3A_301 = vector.extract_strided_slice %get3A_107 {offsets = [14], sizes = [1], strides = [1]} : vector<16xi32> to vector<1xi32>
      %squeeze3A_302 = vector.extract %slice3A_301[0] : i32 from vector<1xi32>
      %mul3A_303 = arith.constant 16 : i32
      %mul3A_304 = arith.muli %scan3A_103, %mul3A_303 : i32
      %add3A_305 = arith.constant 14 : i32
      %add3A_306 = arith.addi %mul3A_304, %add3A_305 : i32
      %dma_start3A_307 = arith.constant 0 : i32
      %dma_start3A_308 = tpu.memref_slice %arg6[%add3A_306, %dma_start3A_307] : memref<512x64xf32, #tpu.memory_space<vmem>> -> memref<1x64xf32, #tpu.memory_space<vmem>>
      %dma_start3A_309 = arith.constant 0 : i32
      %dma_start3A_310 = tpu.memref_slice %arg2[%squeeze3A_302, %dma_start3A_309] : memref<1000008x64xf32, #tpu.memory_space<hbm>> -> memref<1x64xf32, #tpu.memory_space<hbm>>
      %dma_start3A_311 = arith.constant 0 : i32
      %dma_start3A_312 = tpu.memref_slice %arg6[%add3A_306, %dma_start3A_311] : memref<512x64xf32, #tpu.memory_space<vmem>> -> memref<1x64xf32, #tpu.memory_space<vmem>>
      %dma_start3A_313 = arith.constant 0 : i32
      %dma_start3A_314 = tpu.memref_slice %arg2[%squeeze3A_302, %dma_start3A_313] : memref<1000008x64xf32, #tpu.memory_space<hbm>> -> memref<1x64xf32, #tpu.memory_space<hbm>>
      tpu.enqueue_dma source(%dma_start3A_314 : memref<1x64xf32, #tpu.memory_space<hbm>>) target(%dma_start3A_312 : memref<1x64xf32, #tpu.memory_space<vmem>>) target_semaphore(%arg13 : memref<!tpu.dma_semaphore, #tpu.memory_space<semaphore_mem>>)
      %slice3A_315 = vector.extract_strided_slice %get3A_107 {offsets = [15], sizes = [1], strides = [1]} : vector<16xi32> to vector<1xi32>
      %squeeze3A_316 = vector.extract %slice3A_315[0] : i32 from vector<1xi32>
      %mul3A_317 = arith.constant 16 : i32
      %mul3A_318 = arith.muli %scan3A_103, %mul3A_317 : i32
      %add3A_319 = arith.constant 15 : i32
      %add3A_320 = arith.addi %mul3A_318, %add3A_319 : i32
      %dma_start3A_321 = arith.constant 0 : i32
      %dma_start3A_322 = tpu.memref_slice %arg6[%add3A_320, %dma_start3A_321] : memref<512x64xf32, #tpu.memory_space<vmem>> -> memref<1x64xf32, #tpu.memory_space<vmem>>
      %dma_start3A_323 = arith.constant 0 : i32
      %dma_start3A_324 = tpu.memref_slice %arg2[%squeeze3A_316, %dma_start3A_323] : memref<1000008x64xf32, #tpu.memory_space<hbm>> -> memref<1x64xf32, #tpu.memory_space<hbm>>
      %dma_start3A_325 = arith.constant 0 : i32
      %dma_start3A_326 = tpu.memref_slice %arg6[%add3A_320, %dma_start3A_325] : memref<512x64xf32, #tpu.memory_space<vmem>> -> memref<1x64xf32, #tpu.memory_space<vmem>>
      %dma_start3A_327 = arith.constant 0 : i32
      %dma_start3A_328 = tpu.memref_slice %arg2[%squeeze3A_316, %dma_start3A_327] : memref<1000008x64xf32, #tpu.memory_space<hbm>> -> memref<1x64xf32, #tpu.memory_space<hbm>>
      tpu.enqueue_dma source(%dma_start3A_328 : memref<1x64xf32, #tpu.memory_space<hbm>>) target(%dma_start3A_326 : memref<1x64xf32, #tpu.memory_space<vmem>>) target_semaphore(%arg14 : memref<!tpu.dma_semaphore, #tpu.memory_space<semaphore_mem>>)
    }
    %scan3A_7 = arith.constant 32 : i32
    %dma_wait3A = arith.constant 0 : i32
    %dma_wait3A_8 = arith.constant 0 : i32
    %dma_wait3A_9 = tpu.memref_slice %arg6[%dma_wait3A, %dma_wait3A_8] : memref<512x64xf32, #tpu.memory_space<vmem>> -> memref<64x64xf32, #tpu.memory_space<vmem>>
    %dma_wait3A_10 = arith.constant 0 : i32
    %dma_wait3A_11 = arith.constant 0 : i32
    %dma_wait3A_12 = tpu.memref_slice %arg2[%dma_wait3A_10, %dma_wait3A_11] : memref<1000008x64xf32, #tpu.memory_space<hbm>> -> memref<64x64xf32, #tpu.memory_space<hbm>>
    %dma_wait3A_13 = arith.constant 0 : i32
    %dma_wait3A_14 = arith.constant 0 : i32
    %dma_wait3A_15 = tpu.memref_slice %arg6[%dma_wait3A_13, %dma_wait3A_14] : memref<512x64xf32, #tpu.memory_space<vmem>> -> memref<64x64xf32, #tpu.memory_space<vmem>>
    %dma_wait3A_16 = arith.constant 0 : i32
    %dma_wait3A_17 = arith.constant 0 : i32
    %dma_wait3A_18 = tpu.memref_slice %arg2[%dma_wait3A_16, %dma_wait3A_17] : memref<1000008x64xf32, #tpu.memory_space<hbm>> -> memref<64x64xf32, #tpu.memory_space<hbm>>
    tpu.wait_dma2 semaphore(%arg7 : memref<!tpu.dma_semaphore, #tpu.memory_space<semaphore_mem>>) src(%dma_wait3A_18 : memref<64x64xf32, #tpu.memory_space<hbm>>) dst(%dma_wait3A_15 : memref<64x64xf32, #tpu.memory_space<vmem>>)
    %dma_wait3A_19 = arith.constant 0 : i32
    %dma_wait3A_20 = arith.constant 0 : i32
    %dma_wait3A_21 = tpu.memref_slice %arg6[%dma_wait3A_19, %dma_wait3A_20] : memref<512x64xf32, #tpu.memory_space<vmem>> -> memref<64x64xf32, #tpu.memory_space<vmem>>
    %dma_wait3A_22 = arith.constant 0 : i32
    %dma_wait3A_23 = arith.constant 0 : i32
    %dma_wait3A_24 = tpu.memref_slice %arg2[%dma_wait3A_22, %dma_wait3A_23] : memref<1000008x64xf32, #tpu.memory_space<hbm>> -> memref<64x64xf32, #tpu.memory_space<hbm>>
    %dma_wait3A_25 = arith.constant 0 : i32
    %dma_wait3A_26 = arith.constant 0 : i32
    %dma_wait3A_27 = tpu.memref_slice %arg6[%dma_wait3A_25, %dma_wait3A_26] : memref<512x64xf32, #tpu.memory_space<vmem>> -> memref<64x64xf32, #tpu.memory_space<vmem>>
    %dma_wait3A_28 = arith.constant 0 : i32
    %dma_wait3A_29 = arith.constant 0 : i32
    %dma_wait3A_30 = tpu.memref_slice %arg2[%dma_wait3A_28, %dma_wait3A_29] : memref<1000008x64xf32, #tpu.memory_space<hbm>> -> memref<64x64xf32, #tpu.memory_space<hbm>>
    tpu.wait_dma2 semaphore(%arg8 : memref<!tpu.dma_semaphore, #tpu.memory_space<semaphore_mem>>) src(%dma_wait3A_30 : memref<64x64xf32, #tpu.memory_space<hbm>>) dst(%dma_wait3A_27 : memref<64x64xf32, #tpu.memory_space<vmem>>)
    %dma_wait3A_31 = arith.constant 0 : i32
    %dma_wait3A_32 = arith.constant 0 : i32
    %dma_wait3A_33 = tpu.memref_slice %arg6[%dma_wait3A_31, %dma_wait3A_32] : memref<512x64xf32, #tpu.memory_space<vmem>> -> memref<64x64xf32, #tpu.memory_space<vmem>>
    %dma_wait3A_34 = arith.constant 0 : i32
    %dma_wait3A_35 = arith.constant 0 : i32
    %dma_wait3A_36 = tpu.memref_slice %arg2[%dma_wait3A_34, %dma_wait3A_35] : memref<1000008x64xf32, #tpu.memory_space<hbm>> -> memref<64x64xf32, #tpu.memory_space<hbm>>
    %dma_wait3A_37 = arith.constant 0 : i32
    %dma_wait3A_38 = arith.constant 0 : i32
    %dma_wait3A_39 = tpu.memref_slice %arg6[%dma_wait3A_37, %dma_wait3A_38] : memref<512x64xf32, #tpu.memory_space<vmem>> -> memref<64x64xf32, #tpu.memory_space<vmem>>
    %dma_wait3A_40 = arith.constant 0 : i32
    %dma_wait3A_41 = arith.constant 0 : i32
    %dma_wait3A_42 = tpu.memref_slice %arg2[%dma_wait3A_40, %dma_wait3A_41] : memref<1000008x64xf32, #tpu.memory_space<hbm>> -> memref<64x64xf32, #tpu.memory_space<hbm>>
    tpu.wait_dma2 semaphore(%arg9 : memref<!tpu.dma_semaphore, #tpu.memory_space<semaphore_mem>>) src(%dma_wait3A_42 : memref<64x64xf32, #tpu.memory_space<hbm>>) dst(%dma_wait3A_39 : memref<64x64xf32, #tpu.memory_space<vmem>>)
    %dma_wait3A_43 = arith.constant 0 : i32
    %dma_wait3A_44 = arith.constant 0 : i32
    %dma_wait3A_45 = tpu.memref_slice %arg6[%dma_wait3A_43, %dma_wait3A_44] : memref<512x64xf32, #tpu.memory_space<vmem>> -> memref<64x64xf32, #tpu.memory_space<vmem>>
    %dma_wait3A_46 = arith.constant 0 : i32
    %dma_wait3A_47 = arith.constant 0 : i32
    %dma_wait3A_48 = tpu.memref_slice %arg2[%dma_wait3A_46, %dma_wait3A_47] : memref<1000008x64xf32, #tpu.memory_space<hbm>> -> memref<64x64xf32, #tpu.memory_space<hbm>>
    %dma_wait3A_49 = arith.constant 0 : i32
    %dma_wait3A_50 = arith.constant 0 : i32
    %dma_wait3A_51 = tpu.memref_slice %arg6[%dma_wait3A_49, %dma_wait3A_50] : memref<512x64xf32, #tpu.memory_space<vmem>> -> memref<64x64xf32, #tpu.memory_space<vmem>>
    %dma_wait3A_52 = arith.constant 0 : i32
    %dma_wait3A_53 = arith.constant 0 : i32
    %dma_wait3A_54 = tpu.memref_slice %arg2[%dma_wait3A_52, %dma_wait3A_53] : memref<1000008x64xf32, #tpu.memory_space<hbm>> -> memref<64x64xf32, #tpu.memory_space<hbm>>
    tpu.wait_dma2 semaphore(%arg10 : memref<!tpu.dma_semaphore, #tpu.memory_space<semaphore_mem>>) src(%dma_wait3A_54 : memref<64x64xf32, #tpu.memory_space<hbm>>) dst(%dma_wait3A_51 : memref<64x64xf32, #tpu.memory_space<vmem>>)
    %dma_wait3A_55 = arith.constant 0 : i32
    %dma_wait3A_56 = arith.constant 0 : i32
    %dma_wait3A_57 = tpu.memref_slice %arg6[%dma_wait3A_55, %dma_wait3A_56] : memref<512x64xf32, #tpu.memory_space<vmem>> -> memref<64x64xf32, #tpu.memory_space<vmem>>
    %dma_wait3A_58 = arith.constant 0 : i32
    %dma_wait3A_59 = arith.constant 0 : i32
    %dma_wait3A_60 = tpu.memref_slice %arg2[%dma_wait3A_58, %dma_wait3A_59] : memref<1000008x64xf32, #tpu.memory_space<hbm>> -> memref<64x64xf32, #tpu.memory_space<hbm>>
    %dma_wait3A_61 = arith.constant 0 : i32
    %dma_wait3A_62 = arith.constant 0 : i32
    %dma_wait3A_63 = tpu.memref_slice %arg6[%dma_wait3A_61, %dma_wait3A_62] : memref<512x64xf32, #tpu.memory_space<vmem>> -> memref<64x64xf32, #tpu.memory_space<vmem>>
    %dma_wait3A_64 = arith.constant 0 : i32
    %dma_wait3A_65 = arith.constant 0 : i32
    %dma_wait3A_66 = tpu.memref_slice %arg2[%dma_wait3A_64, %dma_wait3A_65] : memref<1000008x64xf32, #tpu.memory_space<hbm>> -> memref<64x64xf32, #tpu.memory_space<hbm>>
    tpu.wait_dma2 semaphore(%arg11 : memref<!tpu.dma_semaphore, #tpu.memory_space<semaphore_mem>>) src(%dma_wait3A_66 : memref<64x64xf32, #tpu.memory_space<hbm>>) dst(%dma_wait3A_63 : memref<64x64xf32, #tpu.memory_space<vmem>>)
    %dma_wait3A_67 = arith.constant 0 : i32
    %dma_wait3A_68 = arith.constant 0 : i32
    %dma_wait3A_69 = tpu.memref_slice %arg6[%dma_wait3A_67, %dma_wait3A_68] : memref<512x64xf32, #tpu.memory_space<vmem>> -> memref<64x64xf32, #tpu.memory_space<vmem>>
    %dma_wait3A_70 = arith.constant 0 : i32
    %dma_wait3A_71 = arith.constant 0 : i32
    %dma_wait3A_72 = tpu.memref_slice %arg2[%dma_wait3A_70, %dma_wait3A_71] : memref<1000008x64xf32, #tpu.memory_space<hbm>> -> memref<64x64xf32, #tpu.memory_space<hbm>>
    %dma_wait3A_73 = arith.constant 0 : i32
    %dma_wait3A_74 = arith.constant 0 : i32
    %dma_wait3A_75 = tpu.memref_slice %arg6[%dma_wait3A_73, %dma_wait3A_74] : memref<512x64xf32, #tpu.memory_space<vmem>> -> memref<64x64xf32, #tpu.memory_space<vmem>>
    %dma_wait3A_76 = arith.constant 0 : i32
    %dma_wait3A_77 = arith.constant 0 : i32
    %dma_wait3A_78 = tpu.memref_slice %arg2[%dma_wait3A_76, %dma_wait3A_77] : memref<1000008x64xf32, #tpu.memory_space<hbm>> -> memref<64x64xf32, #tpu.memory_space<hbm>>
    tpu.wait_dma2 semaphore(%arg12 : memref<!tpu.dma_semaphore, #tpu.memory_space<semaphore_mem>>) src(%dma_wait3A_78 : memref<64x64xf32, #tpu.memory_space<hbm>>) dst(%dma_wait3A_75 : memref<64x64xf32, #tpu.memory_space<vmem>>)
    %dma_wait3A_79 = arith.constant 0 : i32
    %dma_wait3A_80 = arith.constant 0 : i32
    %dma_wait3A_81 = tpu.memref_slice %arg6[%dma_wait3A_79, %dma_wait3A_80] : memref<512x64xf32, #tpu.memory_space<vmem>> -> memref<64x64xf32, #tpu.memory_space<vmem>>
    %dma_wait3A_82 = arith.constant 0 : i32
    %dma_wait3A_83 = arith.constant 0 : i32
    %dma_wait3A_84 = tpu.memref_slice %arg2[%dma_wait3A_82, %dma_wait3A_83] : memref<1000008x64xf32, #tpu.memory_space<hbm>> -> memref<64x64xf32, #tpu.memory_space<hbm>>
    %dma_wait3A_85 = arith.constant 0 : i32
    %dma_wait3A_86 = arith.constant 0 : i32
    %dma_wait3A_87 = tpu.memref_slice %arg6[%dma_wait3A_85, %dma_wait3A_86] : memref<512x64xf32, #tpu.memory_space<vmem>> -> memref<64x64xf32, #tpu.memory_space<vmem>>
    %dma_wait3A_88 = arith.constant 0 : i32
    %dma_wait3A_89 = arith.constant 0 : i32
    %dma_wait3A_90 = tpu.memref_slice %arg2[%dma_wait3A_88, %dma_wait3A_89] : memref<1000008x64xf32, #tpu.memory_space<hbm>> -> memref<64x64xf32, #tpu.memory_space<hbm>>
    tpu.wait_dma2 semaphore(%arg13 : memref<!tpu.dma_semaphore, #tpu.memory_space<semaphore_mem>>) src(%dma_wait3A_90 : memref<64x64xf32, #tpu.memory_space<hbm>>) dst(%dma_wait3A_87 : memref<64x64xf32, #tpu.memory_space<vmem>>)
    %dma_wait3A_91 = arith.constant 0 : i32
    %dma_wait3A_92 = arith.constant 0 : i32
    %dma_wait3A_93 = tpu.memref_slice %arg6[%dma_wait3A_91, %dma_wait3A_92] : memref<512x64xf32, #tpu.memory_space<vmem>> -> memref<64x64xf32, #tpu.memory_space<vmem>>
    %dma_wait3A_94 = arith.constant 0 : i32
    %dma_wait3A_95 = arith.constant 0 : i32
    %dma_wait3A_96 = tpu.memref_slice %arg2[%dma_wait3A_94, %dma_wait3A_95] : memref<1000008x64xf32, #tpu.memory_space<hbm>> -> memref<64x64xf32, #tpu.memory_space<hbm>>
    %dma_wait3A_97 = arith.constant 0 : i32
    %dma_wait3A_98 = arith.constant 0 : i32
    %dma_wait3A_99 = tpu.memref_slice %arg6[%dma_wait3A_97, %dma_wait3A_98] : memref<512x64xf32, #tpu.memory_space<vmem>> -> memref<64x64xf32, #tpu.memory_space<vmem>>
    %dma_wait3A_100 = arith.constant 0 : i32
    %dma_wait3A_101 = arith.constant 0 : i32
    %dma_wait3A_102 = tpu.memref_slice %arg2[%dma_wait3A_100, %dma_wait3A_101] : memref<1000008x64xf32, #tpu.memory_space<hbm>> -> memref<64x64xf32, #tpu.memory_space<hbm>>
    tpu.wait_dma2 semaphore(%arg14 : memref<!tpu.dma_semaphore, #tpu.memory_space<semaphore_mem>>) src(%dma_wait3A_102 : memref<64x64xf32, #tpu.memory_space<hbm>>) dst(%dma_wait3A_99 : memref<64x64xf32, #tpu.memory_space<vmem>>)
    "tpu.region"() ({
      %run_scoped3A = tpu.sem_alloc : memref<!tpu.dma_semaphore, #tpu.memory_space<semaphore_mem>>
      %dma_start3A = arith.constant 0 : i32
      %dma_start3A_103 = tpu.memref_slice %arg4[%mul3A_2, %dma_start3A] : memref<16384x64xf32, #tpu.memory_space<hbm>> -> memref<512x64xf32, #tpu.memory_space<hbm>>
      %dma_start3A_104 = arith.constant 0 : i32
      %dma_start3A_105 = tpu.memref_slice %arg4[%mul3A_2, %dma_start3A_104] : memref<16384x64xf32, #tpu.memory_space<hbm>> -> memref<512x64xf32, #tpu.memory_space<hbm>>
      tpu.enqueue_dma source(%arg6 : memref<512x64xf32, #tpu.memory_space<vmem>>) target(%dma_start3A_105 : memref<512x64xf32, #tpu.memory_space<hbm>>) target_semaphore(%run_scoped3A : memref<!tpu.dma_semaphore, #tpu.memory_space<semaphore_mem>>)
      %dma_wait3A_106 = arith.constant 0 : i32
      %dma_wait3A_107 = tpu.memref_slice %arg4[%mul3A_2, %dma_wait3A_106] : memref<16384x64xf32, #tpu.memory_space<hbm>> -> memref<512x64xf32, #tpu.memory_space<hbm>>
      %dma_wait3A_108 = arith.constant 0 : i32
      %dma_wait3A_109 = tpu.memref_slice %arg4[%mul3A_2, %dma_wait3A_108] : memref<16384x64xf32, #tpu.memory_space<hbm>> -> memref<512x64xf32, #tpu.memory_space<hbm>>
      tpu.wait_dma2 semaphore(%run_scoped3A : memref<!tpu.dma_semaphore, #tpu.memory_space<semaphore_mem>>) src(%arg6 : memref<512x64xf32, #tpu.memory_space<vmem>>) dst(%dma_wait3A_109 : memref<512x64xf32, #tpu.memory_space<hbm>>)
      tpu.yield
    }) : () -> ()
    return
  }
}

</mosaic_0001>

<sc_bundles>
// kernel: kernel.3.cloned.1.call-start
scs
__scs_entry_jumppad:
0x0: {  	(pc) =	sbr.rel $0x88, $3  }
0x1: {  	(tag) =	ssettag $0x0;
	lr =	simm.s32 $0x1  }
0x2: {  	[smem:$0x3F9F] =	sst lr;
	_ =	strace $0xD0000000  }
0x3: {  	_ = 	snop  }
0x4: {  	_ = 	snop  }
0x5: {  	_ = 	snop  }
0x6: {  	_ = 	snop  }
0x7: {  	_ = 	snop  }
__scs_overlays_trampoline_lowered:
0x8: {  	[smem:$0x3FAE] =	sst s0  }
0x9: {  	[smem:$0x3FAF] =	sst s1  }
0xa: {  	[smem:$0x3FB0] =	sst s2  }
0xb: {  	[smem:$0x3FB1] =	sst s3  }
0xc: {  	[smem:$0x3FB2] =	sst s4  }
0xd: {  	[smem:$0x3FB3] =	sst s5  }
0xe: {  	[smem:$0x3FB4] =	sst s6  }
0xf: {  	[smem:$0x3FB5] =	sst s7  }
0x10: {  	[smem:$0x3FB6] =	sst s8  }
0x11: {  	[smem:$0x3FB7] =	sst s9;
	s0 =	simm.s32 @!p0 $0x0  }
0x12: {  	s1 =	sld [smem:$0x3F9D];
	s0 =	simm.s32 @p0 $0x1  }
0x13: {  	[smem:$0x3FB8] =	sst s0;
	s0 =	simm.s32 @!p1 $0x0  }
0x14: {  	s2 =	sld [smem:$0x3F9C];
	s0 =	simm.s32 @p1 $0x1  }
0x15: {  	[smem:$0x3FB9] =	sst s0;
	s0 =	simm.s32 @!p2 $0x0  }
0x16: {  	s3 =	sld [smem:$0x3FDB];
	s0 =	simm.s32 @p2 $0x1  }
0x17: {  	s4 =	simm.s32 $0x1BF5;
	[smem:$0x3FBB] =	sst s0  }
0x18: {  	s0 =	sld [smem:$0x3F9E];
	_ =	swait.ge [sflag:s4], $0x0  }
0x19: {  	s7 =	sld [smem:$0x3F9F]  }
0x1a: {  	s8 =	sadd.s32 $0xFFFFE003, lr  }
0x1b: {  	s9 =	sadd.s32 $0xFFFFFEF7, lr;
	s5 =	simm.s32 $0xFFFFFFFF;
	p2 =	slt.u32 s8, $0xFFFFF086  }
0x1c: {  	p1 =	slt.u32 s9, $0xF7A;
	s5 =	simm.s32 @!p2 $0x0  }
0x1d: {  	s5 =	simm.s32 @p1 $0x1;
	p0 =	seq.s32 s7, s2  }
0x1e: {  	s7 =	smul.u32 @!p0 $0xF7A, s2;
	p2 =	seq.s32 @!p0 s5, $0x0  }
0x1f: {  	s9 =	smul.u32 $0xF7A, s1;
	s8 =	simm.s32 @!p0 $0x1BF5;
	p2 =	por !p2, p0  }
0x20: {  	[sflag:s8] =	ssyncset.s32 @!p0 $0xFFFFF086;
	s6 =	sadd.s32 @!p0 s3, s7;
	s7 =	simm.s32 @!p0 $0x108  }
0x21: {  	s3 =	sadd.s32 s3, s9;
	s6 =	sadd.s32 @!p0 $0x88, s6;
	s7 =	simm.s32 @p2 $0x1082  }
0x22: {  	[simem:s7], [sflag:s8] =	dma.local @!p0 [hbm:s6], $0xF7A  }
0x23: {  	s9 =	sor.u32 $0xD0000000, s2;
	s6 =	simm.s32 $0x108;
	_ =	swait.ge @!p0 [sflag:s8], $0x0  }
0x24: {  	s3 =	sadd.s32 $0x88, s3;
	s6 =	simm.s32 @!p1 $0x1082;
	[sflag:s4] =	ssyncset.s32 $0xFFFFF086  }
0x25: {  	[simem:s6], [sflag:s4] =	dma.local [hbm:s3], $0xF7A  }
0x26: {  	[smem:$0x3F9F] =	sst s1;
	(tag) =	ssettag s2;
	_ =	strace s9  }
0x27: {  	s1 =	sld [smem:$0x3FAF]  }
0x28: {  	s2 =	sld [smem:$0x3FB0]  }
0x29: {  	s4 =	sld [smem:$0x3FB2]  }
0x2a: {  	p0 =	seq.s32 s5, $0x0;
	s5 =	sld [smem:$0x3FB3]  }
0x2b: {  	s6 =	sld [smem:$0x3FB4]  }
0x2c: {  	s7 =	sld [smem:$0x3FB5]  }
0x2d: {  	s3 =	simm.s32 $0x108;
	s8 =	sld [smem:$0x3FB6]  }
0x2e: {  	s3 =	simm.s32 @!p0 $0x1082;
	s9 =	sld [smem:$0x3FB7]  }
0x2f: {  	lr =	sadd.s32 s0, s3;
	s0 =	sld [smem:$0x3FAE]  }
0x30: {  	s3 =	sld [smem:$0x3FB1]  }
0x31: {  	[smem:$0x3FBA] =	sst s10  }
0x32: {  	s10 =	sld [smem:$0x3FB8];
	_ =	sdelay $0x3  }
0x33: {  	p0 =	seq.s32 s10, $0x1;
	s10 =	sld [smem:$0x3FBA];
	_ =	sdelay $0x3  }
0x34: {  	[smem:$0x3FBA] =	sst s10  }
0x35: {  	s10 =	sld [smem:$0x3FB9];
	_ =	sdelay $0x3  }
0x36: {  	p1 =	seq.s32 s10, $0x1;
	s10 =	sld [smem:$0x3FBA];
	_ =	sdelay $0x3  }
0x37: {  	[smem:$0x3FBA] =	sst s10  }
0x38: {  	s10 =	sld [smem:$0x3FBB]  }
0x39: {  	_ = 	snop;
	(pc) =	sbr.ind lr, $3  }
0x3a: {  	_ = 	snop  }
0x3b: {  	_ = 	snop  }
0x3c: {  	p2 =	seq.s32 s10, $0x1;
	s10 =	sld [smem:$0x3FBA]  }
0x3d: {  	_ =	shalt  }
0x3e: {  	_ =	shalt  }
0x3f: {  	_ =	shalt  }
0x40: {  	_ =	shalt  }
0x41: {  	_ =	shalt  }
0x42: {  	_ =	shalt  }
0x43: {  	_ =	shalt  }
0x44: {  	_ =	shalt  }
0x45: {  	_ =	shalt  }
0x46: {  	_ =	shalt  }
0x47: {  	_ =	shalt  }
0x48: {  	_ =	shalt  }
0x49: {  	_ =	shalt  }
0x4a: {  	_ =	shalt  }
0x4b: {  	_ =	shalt  }
0x4c: {  	_ =	shalt  }
0x4d: {  	_ =	shalt  }
0x4e: {  	_ =	shalt  }
0x4f: {  	_ =	shalt  }
0x50: {  	_ =	shalt  }
0x51: {  	_ =	shalt  }
0x52: {  	_ =	shalt  }
0x53: {  	_ =	shalt  }
0x54: {  	_ =	shalt  }
0x55: {  	_ =	shalt  }
0x56: {  	_ =	shalt  }
0x57: {  	_ =	shalt  }
0x58: {  	_ =	shalt  }
0x59: {  	_ =	shalt  }
0x5a: {  	_ =	shalt  }
0x5b: {  	_ =	shalt  }
0x5c: {  	_ =	shalt  }
0x5d: {  	_ =	shalt  }
0x5e: {  	_ =	shalt  }
0x5f: {  	_ =	shalt  }
0x60: {  	_ =	shalt  }
0x61: {  	_ =	shalt  }
0x62: {  	_ =	shalt  }
0x63: {  	_ =	shalt  }
0x64: {  	_ =	shalt  }
0x65: {  	_ =	shalt  }
0x66: {  	_ =	shalt  }
0x67: {  	_ =	shalt  }
0x68: {  	_ =	shalt  }
0x69: {  	_ =	shalt  }
0x6a: {  	_ =	shalt  }
0x6b: {  	_ =	shalt  }
0x6c: {  	_ =	shalt  }
0x6d: {  	_ =	shalt  }
0x6e: {  	_ =	shalt  }
0x6f: {  	_ =	shalt  }
0x70: {  	_ =	shalt  }
0x71: {  	_ =	shalt  }
0x72: {  	_ =	shalt  }
0x73: {  	_ =	shalt  }
0x74: {  	_ =	shalt  }
0x75: {  	_ =	shalt  }
0x76: {  	_ =	shalt  }
0x77: {  	_ =	shalt  }
0x78: {  	_ =	shalt  }
0x79: {  	_ =	shalt  }
0x7a: {  	_ =	shalt  }
0x7b: {  	_ =	shalt  }
0x7c: {  	_ =	shalt  }
0x7d: {  	_ =	shalt  }
0x7e: {  	_ =	shalt  }
0x7f: {  	_ =	shalt  }
0x80: {  	_ =	shalt  }
0x81: {  	_ =	shalt  }
0x82: {  	_ =	shalt  }
0x83: {  	_ =	shalt  }
0x84: {  	_ =	shalt  }
0x85: {  	_ =	shalt  }
0x86: {  	_ =	shalt  }
0x87: {  	_ =	shalt  }
.Lfunc_end0:
.L_simem_size_0:
called_computation_lowered:
.L_overlay_start_0:
0x88: {  	s2 =	sld [smem:$0x3FD9]  }
0x89: {  	s3 =	sld [smem:$0x3FFE];
	_ =	sdelay $0x1  }
0x8a: {  	s1 =	srdreg.scid  }
0x8b: {  	s0 =	sand.u32 $0x1, s1  }
0x8c: {  	s17 =	sshll.u32 s0, $0xA;
	s2 =	sadd.s32 s3, s2  }
0x8d: {  	s2 =	sadd.s32 s2, s17  }
0x8e: {  	[smem:$0x3FC6] =	sst s2  }
0x8f: {  	_ = 	snop  }
0x90: {  	s2 =	sld [smem:$0x3FC9];
	(tm) =	ssettm $0x1  }
0x91: {  	s18 =	sld [smem:$0x3FFB];
	_ =	sdelay $0x3  }
0x92: {  	_ =	strace s18  }
0x93: {  	s3 =	sld [smem:$0x3FFC];
	_ =	sdelay $0x3  }
0x94: {  	_ =	strace s3  }
0x95: {  	s3 =	sld [smem:$0x3FFD];
	_ =	sdelay $0x3  }
0x96: {  	_ =	strace s3  }
0x97: {  	_ =	strace $0x8FFFFFFF  }
0x98: {  	s19 =	sld [smem:$0x3FDB];
	_ =	sdelay $0x1  }
0x99: {  	s4 =	simm.s32 $_scs_section_size  }
0x9a: {  	s5 =	simm.s32 $_size__tile_overlayer_lowered;
	s6 =	simm.s32 $_tile_overlayer_lowered  }
0x9b: {  	s22 =	simm.s32 $0x1BFF;
	s21 =	sshll.u32 s6, $0x1;
	s3 =	sadd.s32 s4, s19  }
0x9c: {  	s7 =	simm.s32 $0x0;
	s20 =	sshll.u32 s5, $0x1;
	s5 =	sadd.s32 s21, s3  }
0x9d: {  	[timem:s7], [sflag:s22] =	dma.local [hbm:s5], s20  }
0x9e: {  	_ =	swait.ge [sflag:s22], s20  }
0x9f: {  	s4 =	ssub.s32 $0x0, s20;
	[sflag:s22] =	ssyncset.done $0x0  }
0xa0: {  	[sflag:s22] =	ssyncadd.s32 s4;
	_ =	sdelay $0x1  }
0xa1: {  	s23 =	simm.s32 $0x1B8B  }
0xa2: {  	_ =	swait.ge [sflag:s23], $0x1  }
0xa3: {  	[sflag:s23] =	ssyncset.done $0x0  }
0xa4: {  	s25 =	simm.s32 $0x1B8E;
	s24 =	sld [smem:$0x3FFE];
	[sflag:s23] =	ssyncadd.s32 $0xFFFFFFFF  }
0xa5: {  	s26 =	simm.s32 $execute0_lowered;
	[smem:$0x3FD2] =	sst s25  }
0xa6: {  	s5 =	sshll.u32 s26, $0x1;
	_ =	strace $0x80000046;
	[dreg:$0x1] =	wrdreg $0xFFFFFFFF  }
0xa7: {  	s28 =	simm.s32 $_size_execute0_lowered;
	s3 =	sadd.s32 s3, s5;
	[dreg:$0x0] =	wrdreg $0x0  }
0xa8: {  	s5 =	sshll.u32 s28, $0x1;
	[dreg:$0x2] =	wrdreg s3  }
0xa9: {  	[dreg:$0x3] =	wrdreg s5  }
0xaa: {  	[dreg:$0x4] =	wrdreg $0xC0  }
0xab: {  	_ =	task [dreg:s7], $0x5FFFF  }
0xac: {  	[dreg:$0x1] =	wrdreg $0xFFFFFFFF  }
0xad: {  	[dreg:$0x0] =	wrdreg $0x60  }
0xae: {  	[dreg:$0x2] =	wrdreg s24  }
0xaf: {  	[dreg:$0x3] =	wrdreg s2  }
0xb0: {  	[dreg:$0x4] =	wrdreg $0x9  }
0xb1: {  	_ =	task.clear_ibuf [dreg:s7], $0x5FFFF;
	_ =	strace $0x90000046  }
0xb2: {  	s29 =	simm.s32 $0x9;
	_ =	strace $0x80000048  }
0xb3: {  	_ =	swait.ge [sflag:s29], $0x1  }
0xb4: {  	[sflag:s29] =	ssyncadd.s32 $0xFFFFFFFF  }
0xb5: {  	_ =	strace $0x90000048  }
0xb6: {  	_ =	sfence  }
0xb7: {  	s30 =	sld [smem:$0x0];
	_ =	sdelay $0x2  }
0xb8: {  	s31 =	sshll.u32 s1, $0xD;
	s1 =	sshrl.u32 s1, $0x2  }
0xb9: {  	s3 =	sand.u32 $0x4000, s31;
	s1 =	sadd.s32 s1, s30  }
0xba: {  	s0 =	sor.u32 s3, s0;
	s1 =	sshll.u32 s1, $0x11  }
0xbb: {  	s0 =	sor.u32 s1, s0  }
0xbc: {  	s0 =	sadd.s32 $0x8F2B, s0  }
0xbd: {  	[sflag:s0] =	ssyncadd.remote.s32 $0x1  }
0xbe: {  	_ =	sfence.sel $0xFFFF  }
0xbf: {  	[dreg:$0x0] =	wrdreg $0xFFFFFFFF;
	(pc) =	sbr.abs _section_cstart, $3  }
0xc0: {  	[dreg:$0x1] =	wrdreg $0xFFFFFFFF  }
0xc1: {  	_ =	task.clear_ibuf [dreg:s7], $0x2FFFF;
	_ =	strace $0x9FFFFFFF  }
0xc2: {  	(tm) =	ssettm $0x7FFFFFFF  }
0xc3: {  	_ =	shalt  }
tec
execute0_lowered:
.L_overlay_start_1:
0x0: {  	(tag) =	ssettag $0x1  }
0x1: {  	s4 =	rddreg [dreg:$0x0]  }
0x2: {  	s5 =	rddreg [dreg:$0x1];
	s3 =	srdreg.scid  }
0x3: {  	s2 =	simm.s32 $0x0;
	s0 =	stileid.u32;
	s9 =	simm.s32 $0x2  }
0x4: {  	s10 =	simm.s32 $0x3;
	s11 =	simm.s32 $0x4;
	s12 =	simm.s32 $0x5  }
0x5: {  	s13 =	simm.s32 $0x6;
	s14 =	simm.s32 $0x7;
	s6 =	sand.u32 $0x1, s3  }
0x6: {  	s15 =	simm.s32 $0x8;
	s26 =	sshll.u32 s0, $0xA;
	s7 =	sshll.u32 s6, $0x9  }
0x7: {  	[smem:$0x7FF] =	sst s2;
	s6 =	ssub.s32 $0x2, s6;
	s7 =	sor.u32 s7, s26  }
0x8: {  	s28 =	sshrl.u32 s6, $0x1;
	s8 =	sshll.u32 s7, $0x4;
	s7 =	sshrl.u32 s7, $0x3  }
0x9: {  	_ =	strace $0x80000047;
	s6 =	ssub.s32 s6, s28;
	s29 =	sadd.s32 s5, s7  }
0xa: {  	s8 =	sadd.s32 s8, s4;
	s31 =	smax.u32 s6, $0x1;
	[dreg:$0x3] =	wrdreg s29  }
0xb: {  	s17 =	simm.s32 $0x0;
	s30 =	sadd.s32 $0xF42A00, s8;
	[dreg:$0x5] =	wrdreg s31  }
0xc: {  	s3 =	sadd.s32 $0x400, s4;
	s7 =	simm.s32 $0x9;
	[dreg:$0x4] =	wrdreg s30  }
.LBB2_1:
0xd: {  	s0 =	rddreg [dreg:$0x3]  }
0xe: {  	[tilespmem:s2], [sflag:$0x9] =	stream.linear.gather [hbm4b:s0+s2], $0x200, $0x38;
	[tilespmem:$0x10200] =	vst v63  }
0xf: {  	_ =	swait.ge [sflag:s7], $0x200  }
0x10: {  	[sflag:s7] =	ssyncset.done $0x0  }
0x11: {  	[sflag:s7] =	ssyncadd.s32 $0xFFFFFE00  }
0x12: {  	v0 =	vld [tilespmem:s2+$0x0];
	_ =	sdelay $0x4  }
0x13: {  	v0 =	vshll.u32 v0, $0x4  }
0x14: {  	(v2sf) =	vpush v0, $0x0  }
0x15: {  	(v2sf) =	vpush v0, $0x1  }
0x16: {  	(v2sf) =	vpush v0, $0x2;
	_ =	sdelay $0x1  }
0x17: {  	(v2sf) =	vpush v0, $0x4;
	_ =	sdelay $0x1  }
0x18: {  	(v2sf) =	vpush v0, $0x3  }
0x19: {  	(v2sf) =	vpush v0, $0x5  }
0x1a: {  	s19 =	simm.s32 $0x2000;
	s18 =	simm.s32 $0x0;
	s20 =	simm.s32 $0x0;
	(v2sf) =	vpush v0, $0x6  }
.LBB2_2:
0x1b: {  	p0 =	sne.s32 s19, $0x3E000  }
0x1c: {  	s31 =	sadd.s32 $0x280, s18;
	s24 =	sadd.s32 $0x780, s18;
	s21 =	smov.u32 s19  }
0x1d: {  	s19 =	sadd.s32 $0x2000, s19;
	s28 =	sadd.s32 $0x580, s18;
	s22 =	sadd.s32 $0x800, s18;
	(v2sf) =	vpush v0, $0x7  }
0x1e: {  	s30 =	sadd.s32 $0x480, s18;
	s26 =	sadd.s32 $0x600, s18;
	s23 =	sadd.s32 $0x880, s18  }
0x1f: {  	s0 =	sadd.s32 $0x200, s18;
	s1 =	sadd.s32 $0x400, s18;
	(v2sf) =	vpush v0, $0x8  }
0x20: {  	s16 =	sadd.s32 $0x500, s18;
	s20 =	sadd.s32 $0x10, s20  }
0x21: {  	s4 =	sadd.s32 $0x300, s18;
	s25 =	sadd.s32 $0x700, s18;
	s29 =	spop (v2sf);
	(v2sf) =	vpush v0, $0x9  }
0x22: {  	s5 =	sand.u32 $0x1FFFFFF0, s29;
	s29 =	sadd.s32 $0x680, s18;
	s6 =	spop (v2sf)  }
0x23: {  	s5 =	sadd.s32 s3, s5;
	s6 =	sand.u32 $0x1FFFFFF0, s6;
	s8 =	spop (v2sf);
	(v2sf) =	vpush v0, $0xA  }
0x24: {  	[tilespmem:s0], [sflag:$0x1] =	stream.linear.gather [hbm4b:s5+s2], $0x80, $0x38;
	[tilespmem:$0x10200] =	vst v63  }
0x25: {  	s0 =	sadd.s32 s3, s6;
	s5 =	sadd.s32 $0x380, s18;
	s6 =	spop (v2sf);
	(v2sf) =	vpush v0, $0xB  }
0x26: {  	[tilespmem:s31], [sflag:$0x2] =	stream.linear.gather [hbm4b:s0+s2], $0x80, $0x38;
	[tilespmem:$0x10200] =	vst v63  }
0x27: {  	s0 =	sand.u32 $0x1FFFFFF0, s8;
	s6 =	sand.u32 $0x1FFFFFF0, s6;
	s8 =	spop (v2sf);
	(v2sf) =	vpush v0, $0xC  }
0x28: {  	s0 =	sadd.s32 s3, s0;
	s8 =	sand.u32 $0x1FFFFFF0, s8;
	s31 =	spop (v2sf)  }
0x29: {  	[tilespmem:s4], [sflag:$0x3] =	stream.linear.gather [hbm4b:s0+s2], $0x80, $0x38;
	(v2sf) =	vpush v0, $0xD;
	[tilespmem:$0x10200] =	vst v63  }
0x2a: {  	s0 =	sadd.s32 s3, s8;
	s4 =	sand.u32 $0x1FFFFFF0, s31;
	s8 =	spop (v2sf)  }
0x2b: {  	[tilespmem:s5], [sflag:$0x4] =	stream.linear.gather [hbm4b:s0+s2], $0x80, $0x38;
	(v2sf) =	vpush v0, $0xE;
	[tilespmem:$0x10200] =	vst v63  }
0x2c: {  	s0 =	sadd.s32 s3, s6;
	s5 =	sand.u32 $0x1FFFFFF0, s8;
	s6 =	spop (v2sf)  }
0x2d: {  	[tilespmem:s1], [sflag:$0x5] =	stream.linear.gather [hbm4b:s0+s2], $0x80, $0x38;
	(v2sf) =	vpush v0, $0xF;
	[tilespmem:$0x10200] =	vst v63  }
0x2e: {  	s0 =	sadd.s32 s3, s4;
	s1 =	sand.u32 $0x1FFFFFF0, s6;
	s4 =	spop (v2sf)  }
0x2f: {  	[tilespmem:s30], [sflag:$0x6] =	stream.linear.gather [hbm4b:s0+s2], $0x80, $0x38;
	[tilespmem:$0x10200] =	vst v63  }
0x30: {  	s0 =	sadd.s32 s3, s5;
	s4 =	sand.u32 $0x1FFFFFF0, s4;
	s5 =	spop (v2sf)  }
0x31: {  	[tilespmem:s16], [sflag:$0x7] =	stream.linear.gather [hbm4b:s0+s2], $0x80, $0x38;
	[tilespmem:$0x10200] =	vst v63  }
0x32: {  	s0 =	sadd.s32 s3, s1;
	s1 =	sand.u32 $0x1FFFFFF0, s5;
	s5 =	spop (v2sf)  }
0x33: {  	[tilespmem:s28], [sflag:$0x8] =	stream.linear.gather [hbm4b:s0+s2], $0x80, $0x38;
	[tilespmem:$0x10200] =	vst v63  }
0x34: {  	s0 =	sadd.s32 s3, s4;
	s4 =	sand.u32 $0x1FFFFFF0, s5;
	s5 =	spop (v2sf)  }
0x35: {  	[tilespmem:s26], [sflag:$0x1] =	stream.linear.gather [hbm4b:s0+s2], $0x80, $0x38;
	[tilespmem:$0x10200] =	vst v63  }
0x36: {  	s0 =	sadd.s32 s3, s1;
	s1 =	sand.u32 $0x1FFFFFF0, s5;
	s5 =	spop (v2sf)  }
0x37: {  	[tilespmem:s29], [sflag:$0x2] =	stream.linear.gather [hbm4b:s0+s2], $0x80, $0x38;
	[tilespmem:$0x10200] =	vst v63  }
0x38: {  	s0 =	sadd.s32 s3, s4;
	s4 =	sand.u32 $0x1FFFFFF0, s5;
	s5 =	spop (v2sf)  }
0x39: {  	[tilespmem:s25], [sflag:$0x3] =	stream.linear.gather [hbm4b:s0+s2], $0x80, $0x38;
	[tilespmem:$0x10200] =	vst v63  }
0x3a: {  	s0 =	sadd.s32 s3, s1;
	s1 =	sand.u32 $0x1FFFFFF0, s5;
	s5 =	spop (v2sf)  }
0x3b: {  	[tilespmem:s24], [sflag:$0x4] =	stream.linear.gather [hbm4b:s0+s2], $0x80, $0x38;
	[tilespmem:$0x10200] =	vst v63  }
0x3c: {  	s0 =	sadd.s32 s3, s4;
	s4 =	sand.u32 $0x1FFFFFF0, s5;
	s5 =	spop (v2sf)  }
0x3d: {  	[tilespmem:s22], [sflag:$0x5] =	stream.linear.gather [hbm4b:s0+s2], $0x80, $0x38;
	[tilespmem:$0x10200] =	vst v63  }
0x3e: {  	s0 =	sadd.s32 s3, s1;
	s1 =	sand.u32 $0x1FFFFFF0, s5  }
0x3f: {  	[tilespmem:s23], [sflag:$0x6] =	stream.linear.gather [hbm4b:s0+s2], $0x80, $0x38;
	[tilespmem:$0x10200] =	vst v63  }
0x40: {  	s4 =	sadd.s32 s3, s4;
	s0 =	sadd.s32 $0x900, s18  }
0x41: {  	[tilespmem:s0], [sflag:$0x7] =	stream.linear.gather [hbm4b:s4+s2], $0x80, $0x38;
	[tilespmem:$0x10200] =	vst v63  }
0x42: {  	s1 =	sadd.s32 s3, s1;
	s0 =	sadd.s32 $0x980, s18  }
0x43: {  	[tilespmem:s0], [sflag:$0x8] =	stream.linear.gather [hbm4b:s1+s2], $0x80, $0x38;
	[tilespmem:$0x10200] =	vst v63  }
0x44: {  	v0 =	vld [tilespmem:s20+$0x0];
	_ =	sdelay $0x4  }
0x45: {  	v0 =	vshll.u32 v0, $0x4  }
0x46: {  	(v2sf) =	vpush v0, $0x0  }
0x47: {  	(v2sf) =	vpush v0, $0x1  }
0x48: {  	(v2sf) =	vpush v0, $0x2;
	_ =	sdelay $0x1  }
0x49: {  	(v2sf) =	vpush v0, $0x4  }
.Ltmp0:
0x4a: {  	(pc) =	sbr.rel @p0 .LBB2_2-.Ltmp0, $3  }
0x4b: {  	(v2sf) =	vpush v0, $0x3  }
0x4c: {  	(v2sf) =	vpush v0, $0x5;
	_ =	sdelay $0x1  }
0x4d: {  	s18 =	sshra.s32 s21, $0x2;
	(v2sf) =	vpush v0, $0x6  }
0x4e: {  	_ =	sdelay $0x5  }
0x4f: {  	s0 =	spop (v2sf)  }
0x50: {  	s1 =	spop (v2sf)  }
0x51: {  	s5 =	spop (v2sf)  }
0x52: {  	s16 =	spop (v2sf);
	(v2sf) =	vpush v0, $0x7  }
0x53: {  	s0 =	sand.u32 $0x1FFFFFF0, s0  }
0x54: {  	s4 =	sadd.s32 $0x200, s18;
	s0 =	sadd.s32 s3, s0  }
0x55: {  	[tilespmem:s4], [sflag:$0x1] =	stream.linear.gather [hbm4b:s0+s2], $0x80, $0x38;
	[tilespmem:$0x10200] =	vst v63  }
0x56: {  	s1 =	sand.u32 $0x1FFFFFF0, s1;
	s19 =	spop (v2sf);
	(v2sf) =	vpush v0, $0x8  }
0x57: {  	s4 =	sadd.s32 $0x280, s18;
	s1 =	sadd.s32 s3, s1  }
0x58: {  	[tilespmem:s4], [sflag:$0x2] =	stream.linear.gather [hbm4b:s1+s2], $0x80, $0x38;
	[tilespmem:$0x10200] =	vst v63  }
0x59: {  	s6 =	sand.u32 $0x1FFFFFF0, s5;
	s23 =	spop (v2sf);
	(v2sf) =	vpush v0, $0x9  }
0x5a: {  	s8 =	sadd.s32 $0x300, s18;
	s0 =	sadd.s32 s3, s6  }
0x5b: {  	[tilespmem:s8], [sflag:$0x3] =	stream.linear.gather [hbm4b:s0+s2], $0x80, $0x38;
	[tilespmem:$0x10200] =	vst v63  }
0x5c: {  	s0 =	sand.u32 $0x1FFFFFF0, s19;
	s25 =	spop (v2sf);
	(v2sf) =	vpush v0, $0xA  }
0x5d: {  	s20 =	sadd.s32 $0x380, s18;
	s21 =	sand.u32 $0x1FFFFFF0, s16;
	s0 =	sadd.s32 s3, s0  }
0x5e: {  	[tilespmem:s20], [sflag:$0x4] =	stream.linear.gather [hbm4b:s0+s2], $0x80, $0x38;
	[tilespmem:$0x10200] =	vst v63  }
0x5f: {  	s22 =	sadd.s32 $0x400, s18;
	s0 =	sadd.s32 s3, s21  }
0x60: {  	[tilespmem:s22], [sflag:$0x5] =	stream.linear.gather [hbm4b:s0+s2], $0x80, $0x38;
	[tilespmem:$0x10200] =	vst v63  }
0x61: {  	s0 =	sand.u32 $0x1FFFFFF0, s23;
	s28 =	spop (v2sf);
	(v2sf) =	vpush v0, $0xB  }
0x62: {  	s24 =	sadd.s32 $0x480, s18;
	s0 =	sadd.s32 s3, s0  }
0x63: {  	[tilespmem:s24], [sflag:$0x6] =	stream.linear.gather [hbm4b:s0+s2], $0x80, $0x38;
	[tilespmem:$0x10200] =	vst v63  }
0x64: {  	s0 =	sand.u32 $0x1FFFFFF0, s25  }
0x65: {  	s26 =	sadd.s32 $0x500, s18;
	s0 =	sadd.s32 s3, s0;
	s30 =	spop (v2sf);
	(v2sf) =	vpush v0, $0xC  }
0x66: {  	[tilespmem:s26], [sflag:$0x7] =	stream.linear.gather [hbm4b:s0+s2], $0x80, $0x38;
	[tilespmem:$0x10200] =	vst v63  }
0x67: {  	s0 =	sand.u32 $0x1FFFFFF0, s28  }
0x68: {  	s29 =	sadd.s32 $0x580, s18;
	s0 =	sadd.s32 s3, s0;
	s1 =	spop (v2sf);
	(v2sf) =	vpush v0, $0xD  }
0x69: {  	[tilespmem:s29], [sflag:$0x8] =	stream.linear.gather [hbm4b:s0+s2], $0x80, $0x38;
	[tilespmem:$0x10200] =	vst v63  }
0x6a: {  	s0 =	sand.u32 $0x1FFFFFF0, s30  }
0x6b: {  	s31 =	sadd.s32 $0x600, s18;
	s0 =	sadd.s32 s3, s0;
	s5 =	spop (v2sf);
	(v2sf) =	vpush v0, $0xE  }
0x6c: {  	[tilespmem:s31], [sflag:$0x1] =	stream.linear.gather [hbm4b:s0+s2], $0x80, $0x38;
	[tilespmem:$0x10200] =	vst v63  }
0x6d: {  	s0 =	sand.u32 $0x1FFFFFF0, s1  }
0x6e: {  	s4 =	sadd.s32 $0x680, s18;
	s0 =	sadd.s32 s3, s0  }
0x6f: {  	[tilespmem:s4], [sflag:$0x2] =	stream.linear.gather [hbm4b:s0+s2], $0x80, $0x38;
	[tilespmem:$0x10200] =	vst v63  }
0x70: {  	s0 =	sand.u32 $0x1FFFFFF0, s5;
	s8 =	spop (v2sf);
	(v2sf) =	vpush v0, $0xF  }
0x71: {  	s6 =	sadd.s32 $0x700, s18;
	s0 =	sadd.s32 s3, s0  }
0x72: {  	[tilespmem:s6], [sflag:$0x3] =	stream.linear.gather [hbm4b:s0+s2], $0x80, $0x38;
	[tilespmem:$0x10200] =	vst v63  }
0x73: {  	s0 =	sand.u32 $0x1FFFFFF0, s8  }
0x74: {  	s16 =	sadd.s32 $0x780, s18;
	s0 =	sadd.s32 s3, s0;
	s19 =	spop (v2sf)  }
0x75: {  	[tilespmem:s16], [sflag:$0x4] =	stream.linear.gather [hbm4b:s0+s2], $0x80, $0x38;
	[tilespmem:$0x10200] =	vst v63  }
0x76: {  	s0 =	sand.u32 $0x1FFFFFF0, s19  }
0x77: {  	s20 =	sadd.s32 $0x800, s18;
	s21 =	spop (v2sf);
	s0 =	sadd.s32 s3, s0  }
0x78: {  	[tilespmem:s20], [sflag:$0x5] =	stream.linear.gather [hbm4b:s0+s2], $0x80, $0x38;
	[tilespmem:$0x10200] =	vst v63  }
0x79: {  	s0 =	sand.u32 $0x1FFFFFF0, s21  }
0x7a: {  	s22 =	sadd.s32 $0x880, s18;
	s23 =	spop (v2sf);
	s0 =	sadd.s32 s3, s0  }
0x7b: {  	[tilespmem:s22], [sflag:$0x6] =	stream.linear.gather [hbm4b:s0+s2], $0x80, $0x38;
	[tilespmem:$0x10200] =	vst v63  }
0x7c: {  	s0 =	sand.u32 $0x1FFFFFF0, s23  }
0x7d: {  	s24 =	sadd.s32 $0x900, s18;
	s0 =	sadd.s32 s3, s0  }
0x7e: {  	[tilespmem:s24], [sflag:$0x7] =	stream.linear.gather [hbm4b:s0+s2], $0x80, $0x38;
	[tilespmem:$0x10200] =	vst v63  }
0x7f: {  	s25 =	spop (v2sf)  }
0x80: {  	s0 =	sand.u32 $0x1FFFFFF0, s25  }
0x81: {  	s26 =	sadd.s32 $0x980, s18;
	s28 =	simm.s32 $0x1;
	s0 =	sadd.s32 s3, s0  }
0x82: {  	[tilespmem:s26], [sflag:$0x8] =	stream.linear.gather [hbm4b:s0+s2], $0x80, $0x38;
	[tilespmem:$0x10200] =	vst v63  }
0x83: {  	_ =	swait.ge [sflag:s28], $0x2000  }
0x84: {  	[sflag:s28] =	ssyncset.done $0x0  }
0x85: {  	[sflag:s28] =	ssyncadd.s32 $0xFFFFE000  }
0x86: {  	_ =	swait.ge [sflag:s9], $0x2000  }
0x87: {  	[sflag:s9] =	ssyncset.done $0x0  }
0x88: {  	[sflag:s9] =	ssyncadd.s32 $0xFFFFE000  }
0x89: {  	_ =	swait.ge [sflag:s10], $0x2000  }
0x8a: {  	[sflag:s10] =	ssyncset.done $0x0  }
0x8b: {  	[sflag:s10] =	ssyncadd.s32 $0xFFFFE000  }
0x8c: {  	_ =	swait.ge [sflag:s11], $0x2000  }
0x8d: {  	[sflag:s11] =	ssyncset.done $0x0  }
0x8e: {  	[sflag:s11] =	ssyncadd.s32 $0xFFFFE000  }
0x8f: {  	_ =	swait.ge [sflag:s12], $0x2000  }
0x90: {  	[sflag:s12] =	ssyncset.done $0x0  }
0x91: {  	[sflag:s12] =	ssyncadd.s32 $0xFFFFE000  }
0x92: {  	_ =	swait.ge [sflag:s13], $0x2000  }
0x93: {  	[sflag:s13] =	ssyncset.done $0x0  }
0x94: {  	[sflag:s13] =	ssyncadd.s32 $0xFFFFE000  }
0x95: {  	_ =	swait.ge [sflag:s14], $0x2000  }
0x96: {  	[sflag:s14] =	ssyncset.done $0x0  }
0x97: {  	[sflag:s14] =	ssyncadd.s32 $0xFFFFE000  }
0x98: {  	_ =	swait.ge [sflag:s15], $0x2000  }
0x99: {  	[sflag:s15] =	ssyncset.done $0x0  }
0x9a: {  	s30 =	simm.s32 $0x200;
	s29 =	rddreg [dreg:$0x4];
	[sflag:s15] =	ssyncadd.s32 $0xFFFFE000  }
0x9b: {  	[hbm4b:s29+s2] =	stream.linear.scatter [tilespmem:s30], [sflag:$0x9], $0x10000, $0x38;
	[tilespmem:$0x10200] =	vst v63  }
0x9c: {  	_ =	swait.ge [sflag:s7], $0x10000  }
0x9d: {  	s17 =	sadd.s32 $0x1, s17;
	s31 =	rddreg [dreg:$0x5]  }
0x9e: {  	p0 =	sne.s32 s17, s31  }
.Ltmp1:
0x9f: {  	_ = 	snop;
	(pc) =	sbr.rel @p0 .LBB2_1-.Ltmp1, $3  }
0xa0: {  	_ =	sdelay $0x1  }
0xa1: {  	[sflag:s7] =	ssyncset.done $0x0  }
0xa2: {  	[sflag:s7] =	ssyncadd.s32 $0xFFFF0000  }
0xa3: {  	_ =	sfence.sel $0x180000  }
0xa4: {  	[bflag:$0x0] =	sbarrier.arrive $0xFFFF  }
0xa5: {  	_ =	strace $0x90000047  }
0xa6: {  	s0 =	stileid.u32;
	[bflag:$0x2] =	sbarrier.arrive $0xFFFF  }
0xa7: {  	p0 =	sne.s32 s0, $0x0;
	s0 =	rddreg [dreg:$0x2]  }
0xa8: {  	s0 =	sadd.s32 @!p0 $0x100000, s0  }
0xa9: {  	[sflag:s0] =	ssyncadd.tile.s32 @!p0 $0x1;
	_ =	shalt  }
.Lfunc_end2:
_tile_overlayer_lowered:
.L_overlay_start_2:
0xaa: {  	(tag) =	ssettag $0x2  }
0xab: {  	s0 =	rddreg [dreg:$0x0];
	s2 =	stileid.u32  }
0xac: {  	s1 =	rddreg [dreg:$0x1];
	p0 =	sne.s32 s2, $0x0  }
0xad: {  	s3 =	rddreg [dreg:$0x2];
	[bflag:$0x3] =	sbarrier.arrive $0xFFFF;
	s2 =	simm.s32 @!p0 $0x1C09  }
0xae: {  	[timem:s3], [sflag:s2] =	dma.local @!p0 [hbm:s0], s1  }
0xaf: {  	s0 =	simm.s32 @!p0 $0x9  }
0xb0: {  	_ =	swait.ge @!p0 [sflag:s0], s1  }
0xb1: {  	s1 =	ssub.s32 @!p0 $0x0, s1;
	[sflag:s0] =	ssyncset.done @!p0 $0x0  }
0xb2: {  	[sflag:s0] =	ssyncadd.s32 @!p0 s1  }
0xb3: {  	[bflag:$0x3] =	sbarrier.arrive $0xFFFF  }
0xb4: {  	_ =	shalt  }

</sc_bundles>
